<compile_context>
chip_gen: v7x
topology: tpu7x:2x2x1
jax: 0.10.2.dev20260603
libtpu: 0.0.44.dev20260713+nightly
codegen_flags: <defaults>
</compile_context>

<pallas_src>
import jax
import jax.numpy as jnp
from jax import lax
from jax.experimental import pallas as pl
from jax.experimental.pallas import tpu as pltpu
from jax.experimental.pallas import tpu_sc as plsc

_MAX_REL = 128
_NUM_PE = 2 * _MAX_REL + 1
_S = 512
_D = 1024
_B = 8

_NC, _NS = 2, 16
_NW = _NC * _NS
_RPW = _S // _NW
_LANES = 16
_DBLK = 512


def _prefix_body(pe_ref, d_ref):
    u = lax.broadcasted_iota(jnp.int32, (_S, _NUM_PE), 0)
    k = lax.broadcasted_iota(jnp.int32, (_S, _NUM_PE), 1)
    first = jnp.maximum((_S - _MAX_REL) - u, 0).astype(jnp.float32)
    last = jnp.maximum(u - (_MAX_REL - 1), 0).astype(jnp.float32)
    interior = ((u >= k - _MAX_REL) & (u <= k + (_S - _MAX_REL - 1))).astype(jnp.float32)
    w = jnp.where(k == 0, first, jnp.where(k == _NUM_PE - 1, last, interior))
    w = w * (1.0 / _S)
    d_ref[...] = jnp.dot(w, pe_ref[...], preferred_element_type=jnp.float32)


def _sc_body(d_hbm, out_hbm, rows_v, sem):
    wid = lax.axis_index("s") * _NC + lax.axis_index("c")
    base = wid * _RPW
    r16 = lax.iota(jnp.int32, _LANES)
    idx = (_S - 1 - base) - r16
    pltpu.async_copy(d_hbm.at[idx], rows_v, sem).wait()
    pltpu.sync_copy(rows_v, out_hbm.at[pl.ds(base, _RPW)])


_sc_gather = pl.kernel(
    _sc_body,
    out_type=jax.ShapeDtypeStruct((_S, _D), jnp.float32),
    mesh=plsc.VectorSubcoreMesh(core_axis_name="c", subcore_axis_name="s"),
    scratch_types=[
        pltpu.VMEM((_RPW, _D), jnp.float32),
        pltpu.SemaphoreType.DMA,
    ],
)


def _add_body(x_ref, pe_ref, o_ref):
    o_ref[...] = x_ref[...] + pe_ref[...][None, :, :]


def kernel(x, relative_pe):
    d = pl.pallas_call(
        _prefix_body,
        grid=(_D // _DBLK,),
        in_specs=[pl.BlockSpec((_NUM_PE, _DBLK), lambda j: (0, j))],
        out_specs=pl.BlockSpec((_S, _DBLK), lambda j: (0, j)),
        out_shape=jax.ShapeDtypeStruct((_S, _D), jnp.float32),
    )(relative_pe)
    pe_enc = _sc_gather(d)
    out = pl.pallas_call(
        _add_body,
        grid=(_B // 4,),
        in_specs=[
            pl.BlockSpec((4, _S, _D), lambda b: (b, 0, 0)),
            pl.BlockSpec((_S, _D), lambda b: (0, 0)),
        ],
        out_specs=pl.BlockSpec((4, _S, _D), lambda b: (b, 0, 0)),
        out_shape=jax.ShapeDtypeStruct(x.shape, x.dtype),
    )(x, pe_enc)
    return out

# --- scband reference (transcript-rebuilt; emitter-appended) ---
"""Pipeline reference for scband-relative-positional-encoding-1941325218176 (READ-ONLY COPY).

The authoritative reference and input builder live on the scoring server;
editing this copy changes nothing except your own understanding.
"""

import jax, jax.numpy as jnp
import numpy as np

D_MODEL = 1024
MAX_REL = 128
BATCH = 8
SEQ_LEN = 512


def setup_inputs(seed: int = 0) -> dict:
    key = jax.random.key(seed)
    k1, k2 = jax.random.split(key)
    x = jax.random.normal(k1, (BATCH, SEQ_LEN, D_MODEL), dtype=jnp.float32)
    relative_pe = jax.random.normal(k2, (2 * MAX_REL + 1, D_MODEL), dtype=jnp.float32) * 0.1
    return {"x": x, "relative_pe": relative_pe}


def reference(x, relative_pe):
    # x: [B, S, D]; relative_pe: [2*MAX_REL+1, D]
    seq_len = x.shape[1]
    range_vec = jnp.arange(seq_len)
    # distance_mat[i, j] = j - i  (range_mat - range_mat.T with torch semantics)
    distance_mat = range_vec[None, :] - range_vec[:, None]
    distance_mat = jnp.clip(distance_mat, -MAX_REL, MAX_REL)
    relative_position_indices = distance_mat + MAX_REL  # [S, S] in [0, 2*MAX_REL]
    # embedding gather: [S, S, D]
    relative_embeddings = jnp.take(relative_pe, relative_position_indices, axis=0)
    # mean over dim=1 -> [S, D]
    position_encoding = relative_embeddings.mean(axis=1)
    out = x + position_encoding[None, :, :]
    # dropout is identity in eval mode
    return out

if __name__ == "__main__":
    import jax
    _d = setup_inputs()
    print(jax.jit(kernel)(*tuple(_d.values())))

</pallas_src>

<mosaic_0001>
#map = affine_map<(d0, d1) -> (0, 0)>
module attributes {stable_mosaic.version = 14 : i64} {
  func.func @_sc_body(%arg0: i32, %arg1: i32, %arg2: memref<512x1024xf32, #tpu.memory_space<hbm>>, %arg3: memref<512x1024xf32, #tpu.memory_space<hbm>>, %arg4: memref<16x1024xf32, #tpu.memory_space<vmem>>, %arg5: memref<!tpu.dma_semaphore, #tpu.memory_space<semaphore_mem>>) attributes {dimension_semantics = [#tpu.dimension_semantics<core_parallel>, #tpu.dimension_semantics<subcore_parallel>], iteration_bounds = array<i64: 2, 16>, scalar_prefetch = 0 : i64, scratch_operands = 2 : i64, tpu.core_type = #tpu.core_type<sc_vector_subcore>, window_params = [{transform_indices = #map}, {transform_indices = #map}]} {
    %mul3A = arith.constant 2 : i32
    %mul3A_0 = arith.muli %arg1, %mul3A : i32
    %add3A = arith.addi %mul3A_0, %arg0 : i32
    %mul3A_1 = arith.constant 16 : i32
    %mul3A_2 = arith.muli %add3A, %mul3A_1 : i32
    %iota3A = tpu.iota {dimensions = array<i32: 0>} : vector<16xi32>
    %sub3A = arith.constant 511 : i32
    %sub3A_3 = arith.subi %sub3A, %mul3A_2 : i32
    %sub3A_4 = vector.broadcast %sub3A_3 : i32 to vector<16xi32>
    %sub3A_5 = arith.subi %sub3A_4, %iota3A : vector<16xi32>
    %dma_start3A = arith.constant 0 : i32
    %dma_start3A_6 = arith.constant 0 : i32
    %dma_start3A_7 = tpu.memref_slice %arg2[%dma_start3A, %dma_start3A_6] : memref<512x1024xf32, #tpu.memory_space<hbm>> -> memref<512x1024xf32, #tpu.memory_space<hbm>>
    tpu.enqueue_indirect_dma source(%dma_start3A_7 : memref<512x1024xf32, #tpu.memory_space<hbm>>) target(%arg4 : memref<16x1024xf32, #tpu.memory_space<vmem>>) offsets(%sub3A_5 : vector<16xi32>) semaphore(%arg5 : memref<!tpu.dma_semaphore, #tpu.memory_space<semaphore_mem>>)
    %dma_wait3A = arith.constant 0 : i32
    %dma_wait3A_8 = arith.constant 0 : i32
    %dma_wait3A_9 = tpu.memref_slice %arg2[%dma_wait3A, %dma_wait3A_8] : memref<512x1024xf32, #tpu.memory_space<hbm>> -> memref<512x1024xf32, #tpu.memory_space<hbm>>
    tpu.wait_indirect_dma semaphore(%arg5 : memref<!tpu.dma_semaphore, #tpu.memory_space<semaphore_mem>>) src(%dma_wait3A_9 : memref<512x1024xf32, #tpu.memory_space<hbm>>) dst(%arg4 : memref<16x1024xf32, #tpu.memory_space<vmem>>)
    "tpu.region"() ({
      %run_scoped3A = tpu.sem_alloc : memref<!tpu.dma_semaphore, #tpu.memory_space<semaphore_mem>>
      %dma_start3A_10 = arith.constant 0 : i32
      %dma_start3A_11 = tpu.memref_slice %arg3[%mul3A_2, %dma_start3A_10] : memref<512x1024xf32, #tpu.memory_space<hbm>> -> memref<16x1024xf32, #tpu.memory_space<hbm>>
      %dma_start3A_12 = arith.constant 0 : i32
      %dma_start3A_13 = tpu.memref_slice %arg3[%mul3A_2, %dma_start3A_12] : memref<512x1024xf32, #tpu.memory_space<hbm>> -> memref<16x1024xf32, #tpu.memory_space<hbm>>
      tpu.enqueue_dma source(%arg4 : memref<16x1024xf32, #tpu.memory_space<vmem>>) target(%dma_start3A_13 : memref<16x1024xf32, #tpu.memory_space<hbm>>) target_semaphore(%run_scoped3A : memref<!tpu.dma_semaphore, #tpu.memory_space<semaphore_mem>>)
      %dma_wait3A_14 = arith.constant 0 : i32
      %dma_wait3A_15 = tpu.memref_slice %arg3[%mul3A_2, %dma_wait3A_14] : memref<512x1024xf32, #tpu.memory_space<hbm>> -> memref<16x1024xf32, #tpu.memory_space<hbm>>
      %dma_wait3A_16 = arith.constant 0 : i32
      %dma_wait3A_17 = tpu.memref_slice %arg3[%mul3A_2, %dma_wait3A_16] : memref<512x1024xf32, #tpu.memory_space<hbm>> -> memref<16x1024xf32, #tpu.memory_space<hbm>>
      tpu.wait_dma2 semaphore(%run_scoped3A : memref<!tpu.dma_semaphore, #tpu.memory_space<semaphore_mem>>) src(%arg4 : memref<16x1024xf32, #tpu.memory_space<vmem>>) dst(%dma_wait3A_17 : memref<16x1024xf32, #tpu.memory_space<hbm>>)
      tpu.yield
    }) : () -> ()
    return
  }
}

module attributes {stable_mosaic.version = 14 : i64} {
  func.func @_prefix_body(%arg0: i32, %arg1: memref<257x512xf32, #tpu.memory_space<vmem>>, %arg2: memref<512x512xf32, #tpu.memory_space<vmem>>) attributes {dimension_semantics = [#tpu.dimension_semantics<arbitrary>], iteration_bounds = array<i64: 2>, scalar_prefetch = 0 : i64, scratch_operands = 0 : i64, tpu.core_type = #tpu.core_type<tc>, window_params = [{transform_indices = @transform_0, window_bounds = array<i64: 257, 512>}, {transform_indices = @transform_1, window_bounds = array<i64: 512, 512>}]} {
    %iota3A = tpu.iota {dimensions = array<i32: 0>} : vector<512x257xi32>
    %iota3A_0 = tpu.iota {dimensions = array<i32: 1>} : vector<512x257xi32>
    %sub3A = arith.constant 384 : i32
    %sub3A_1 = vector.broadcast %sub3A : i32 to vector<512x257xi32>
    %sub3A_2 = arith.subi %sub3A_1, %iota3A : vector<512x257xi32>
    %max3A = arith.constant 0 : i32
    %max3A_3 = vector.broadcast %max3A : i32 to vector<512x257xi32>
    %max3A_4 = arith.maxsi %sub3A_2, %max3A_3 : vector<512x257xi32>
    %convert_element_type3A = arith.sitofp %max3A_4 : vector<512x257xi32> to vector<512x257xf32>
    %sub3A_5 = arith.constant 127 : i32
    %sub3A_6 = vector.broadcast %sub3A_5 : i32 to vector<512x257xi32>
    %sub3A_7 = arith.subi %iota3A, %sub3A_6 : vector<512x257xi32>
    %max3A_8 = arith.constant 0 : i32
    %max3A_9 = vector.broadcast %max3A_8 : i32 to vector<512x257xi32>
    %max3A_10 = arith.maxsi %sub3A_7, %max3A_9 : vector<512x257xi32>
    %convert_element_type3A_11 = arith.sitofp %max3A_10 : vector<512x257xi32> to vector<512x257xf32>
    %sub3A_12 = arith.constant 128 : i32
    %sub3A_13 = vector.broadcast %sub3A_12 : i32 to vector<512x257xi32>
    %sub3A_14 = arith.subi %iota3A_0, %sub3A_13 : vector<512x257xi32>
    %ge3A = arith.cmpi sge, %iota3A, %sub3A_14 : vector<512x257xi32>
    %add3A = arith.constant 383 : i32
    %add3A_15 = vector.broadcast %add3A : i32 to vector<512x257xi32>
    %add3A_16 = arith.addi %iota3A_0, %add3A_15 : vector<512x257xi32>
    %le3A = arith.cmpi sle, %iota3A, %add3A_16 : vector<512x257xi32>
    %and3A = arith.andi %ge3A, %le3A : vector<512x257xi1>
    %convert_element_type3A_17 = arith.extui %and3A : vector<512x257xi1> to vector<512x257xi32>
    %convert_element_type3A_18 = arith.sitofp %convert_element_type3A_17 : vector<512x257xi32> to vector<512x257xf32>
    %eq3A = arith.constant 0 : i32
    %eq3A_19 = vector.broadcast %eq3A : i32 to vector<512x257xi32>
    %eq3A_20 = arith.cmpi eq, %iota3A_0, %eq3A_19 : vector<512x257xi32>
    %eq3A_21 = arith.constant 256 : i32
    %eq3A_22 = vector.broadcast %eq3A_21 : i32 to vector<512x257xi32>
    %eq3A_23 = arith.cmpi eq, %iota3A_0, %eq3A_22 : vector<512x257xi32>
    %select_n3A = arith.select %eq3A_23, %convert_element_type3A_11, %convert_element_type3A_18 : vector<512x257xi1>, vector<512x257xf32>
    %select_n3A_24 = arith.select %eq3A_20, %convert_element_type3A, %select_n3A : vector<512x257xi1>, vector<512x257xf32>
    %mul3A = arith.constant 0.001953125 : f32
    %mul3A_25 = vector.broadcast %mul3A : f32 to vector<512x257xf32>
    %mul3A_26 = arith.mulf %select_n3A_24, %mul3A_25 : vector<512x257xf32>
    %get3A = arith.constant 0 : index
    %get3A_27 = arith.constant 0 : index
    %get3A_28 = vector.load %arg1[%get3A, %get3A_27] : memref<257x512xf32, #tpu.memory_space<vmem>>, vector<257x512xf32>
    %dot_general3A = arith.constant dense<0.000000e+00> : vector<512x512xf32>
    %dot_general3A_29 = tpu.matmul %mul3A_26, %get3A_28, %dot_general3A {dimension_numbers = #tpu.dot_dimension_numbers<[1], [0], [0], [1], [0, 0, 1, 1], [], []>, transpose_lhs_hint = false} : vector<512x257xf32>, vector<257x512xf32>, vector<512x512xf32> -> vector<512x512xf32>
    %swap3A = arith.constant 0 : index
    %swap3A_30 = arith.constant 0 : index
    %swap3A_31 = vector.load %arg2[%swap3A, %swap3A_30] : memref<512x512xf32, #tpu.memory_space<vmem>>, vector<512x512xf32>
    tpu.vector_store %arg2[%swap3A, %swap3A_30], %dot_general3A_29 {strides = array<i32>} : memref<512x512xf32, #tpu.memory_space<vmem>>, vector<512x512xf32>,
    return
  }
  func.func @transform_0(%arg0: i32) -> (i32, i32) {
    %c0_i32 = arith.constant 0 : i32
    %c0_i32_0 = arith.constant 0 : i32
    return %c0_i32, %arg0 : i32, i32
  }
  func.func @transform_1(%arg0: i32) -> (i32, i32) {
    %c0_i32 = arith.constant 0 : i32
    %c0_i32_0 = arith.constant 0 : i32
    return %c0_i32, %arg0 : i32, i32
  }
}

module attributes {stable_mosaic.version = 14 : i64} {
  func.func @_add_body(%arg0: i32, %arg1: memref<4x512x1024xf32, #tpu.memory_space<vmem>>, %arg2: memref<512x1024xf32, #tpu.memory_space<vmem>>, %arg3: memref<4x512x1024xf32, #tpu.memory_space<vmem>>) attributes {dimension_semantics = [#tpu.dimension_semantics<arbitrary>], iteration_bounds = array<i64: 2>, scalar_prefetch = 0 : i64, scratch_operands = 0 : i64, tpu.core_type = #tpu.core_type<tc>, window_params = [{transform_indices = @transform_0, window_bounds = array<i64: 4, 512, 1024>}, {pipeline_mode = #tpu.pipeline_mode<synchronous>, transform_indices = @transform_1, window_bounds = array<i64: 512, 1024>}, {transform_indices = @transform_2, window_bounds = array<i64: 4, 512, 1024>}]} {
    %get3A = arith.constant 0 : index
    %get3A_0 = arith.constant 0 : index
    %get3A_1 = arith.constant 0 : index
    %get3A_2 = vector.load %arg1[%get3A, %get3A_0, %get3A_1] : memref<4x512x1024xf32, #tpu.memory_space<vmem>>, vector<4x512x1024xf32>
    %get3A_3 = arith.constant 0 : index
    %get3A_4 = arith.constant 0 : index
    %get3A_5 = vector.load %arg2[%get3A_3, %get3A_4] : memref<512x1024xf32, #tpu.memory_space<vmem>>, vector<512x1024xf32>
    %broadcast_in_dim3A = vector.shape_cast %get3A_5 : vector<512x1024xf32> to vector<1x512x1024xf32>
    %add3A = vector.broadcast %broadcast_in_dim3A : vector<1x512x1024xf32> to vector<4x512x1024xf32>
    %add3A_6 = arith.addf %get3A_2, %add3A : vector<4x512x1024xf32>
    %swap3A = arith.constant 0 : index
    %swap3A_7 = arith.constant 0 : index
    %swap3A_8 = arith.constant 0 : index
    %swap3A_9 = vector.load %arg3[%swap3A, %swap3A_7, %swap3A_8] : memref<4x512x1024xf32, #tpu.memory_space<vmem>>, vector<4x512x1024xf32>
    tpu.vector_store %arg3[%swap3A, %swap3A_7, %swap3A_8], %add3A_6 {strides = array<i32>} : memref<4x512x1024xf32, #tpu.memory_space<vmem>>, vector<4x512x1024xf32>,
    return
  }
  func.func @transform_0(%arg0: i32) -> (i32, i32, i32) {
    %c0_i32 = arith.constant 0 : i32
    %c0_i32_0 = arith.constant 0 : i32
    %c0_i32_1 = arith.constant 0 : i32
    return %arg0, %c0_i32, %c0_i32_0 : i32, i32, i32
  }
  func.func @transform_1(%arg0: i32) -> (i32, i32) {
    %c0_i32 = arith.constant 0 : i32
    %c0_i32_0 = arith.constant 0 : i32
    %c0_i32_1 = arith.constant 0 : i32
    return %c0_i32, %c0_i32_0 : i32, i32
  }
  func.func @transform_2(%arg0: i32) -> (i32, i32, i32) {
    %c0_i32 = arith.constant 0 : i32
    %c0_i32_0 = arith.constant 0 : i32
    %c0_i32_1 = arith.constant 0 : i32
    return %arg0, %c0_i32, %c0_i32_0 : i32, i32, i32
  }
}

</mosaic_0001>

<sc_bundles>
// kernel: kernel.5.cloned.1.call-start
scs
__scs_entry_jumppad:
0x0: {  	(pc) =	sbr.rel $0x88, $3  }
0x1: {  	(tag) =	ssettag $0x0;
	lr =	simm.s32 $0x1  }
0x2: {  	[smem:$0x3F9F] =	sst lr;
	_ =	strace $0xD0000000  }
0x3: {  	_ = 	snop  }
0x4: {  	_ = 	snop  }
0x5: {  	_ = 	snop  }
0x6: {  	_ = 	snop  }
0x7: {  	_ = 	snop  }
__scs_overlays_trampoline_lowered:
0x8: {  	[smem:$0x3FAE] =	sst s0  }
0x9: {  	[smem:$0x3FAF] =	sst s1  }
0xa: {  	[smem:$0x3FB0] =	sst s2  }
0xb: {  	[smem:$0x3FB1] =	sst s3  }
0xc: {  	[smem:$0x3FB2] =	sst s4  }
0xd: {  	[smem:$0x3FB3] =	sst s5  }
0xe: {  	[smem:$0x3FB4] =	sst s6  }
0xf: {  	[smem:$0x3FB5] =	sst s7  }
0x10: {  	[smem:$0x3FB6] =	sst s8  }
0x11: {  	[smem:$0x3FB7] =	sst s9;
	s0 =	simm.s32 @!p0 $0x0  }
0x12: {  	s1 =	sld [smem:$0x3F9D];
	s0 =	simm.s32 @p0 $0x1  }
0x13: {  	[smem:$0x3FB8] =	sst s0;
	s0 =	simm.s32 @!p1 $0x0  }
0x14: {  	s2 =	sld [smem:$0x3F9C];
	s0 =	simm.s32 @p1 $0x1  }
0x15: {  	[smem:$0x3FB9] =	sst s0;
	s0 =	simm.s32 @!p2 $0x0  }
0x16: {  	s3 =	sld [smem:$0x3FDB];
	s0 =	simm.s32 @p2 $0x1  }
0x17: {  	s4 =	simm.s32 $0x1BF5;
	[smem:$0x3FBB] =	sst s0  }
0x18: {  	s0 =	sld [smem:$0x3F9E];
	_ =	swait.ge [sflag:s4], $0x0  }
0x19: {  	s7 =	sld [smem:$0x3F9F]  }
0x1a: {  	s8 =	sadd.s32 $0xFFFFE003, lr  }
0x1b: {  	s9 =	sadd.s32 $0xFFFFFEF7, lr;
	s5 =	simm.s32 $0xFFFFFFFF;
	p2 =	slt.u32 s8, $0xFFFFF086  }
0x1c: {  	p1 =	slt.u32 s9, $0xF7A;
	s5 =	simm.s32 @!p2 $0x0  }
0x1d: {  	s5 =	simm.s32 @p1 $0x1;
	p0 =	seq.s32 s7, s2  }
0x1e: {  	s7 =	smul.u32 @!p0 $0xF7A, s2;
	p2 =	seq.s32 @!p0 s5, $0x0  }
0x1f: {  	s9 =	smul.u32 $0xF7A, s1;
	s8 =	simm.s32 @!p0 $0x1BF5;
	p2 =	por !p2, p0  }
0x20: {  	[sflag:s8] =	ssyncset.s32 @!p0 $0xFFFFF086;
	s6 =	sadd.s32 @!p0 s3, s7;
	s7 =	simm.s32 @!p0 $0x108  }
0x21: {  	s3 =	sadd.s32 s3, s9;
	s6 =	sadd.s32 @!p0 $0x88, s6;
	s7 =	simm.s32 @p2 $0x1082  }
0x22: {  	[simem:s7], [sflag:s8] =	dma.local @!p0 [hbm:s6], $0xF7A  }
0x23: {  	s9 =	sor.u32 $0xD0000000, s2;
	s6 =	simm.s32 $0x108;
	_ =	swait.ge @!p0 [sflag:s8], $0x0  }
0x24: {  	s3 =	sadd.s32 $0x88, s3;
	s6 =	simm.s32 @!p1 $0x1082;
	[sflag:s4] =	ssyncset.s32 $0xFFFFF086  }
0x25: {  	[simem:s6], [sflag:s4] =	dma.local [hbm:s3], $0xF7A  }
0x26: {  	[smem:$0x3F9F] =	sst s1;
	(tag) =	ssettag s2;
	_ =	strace s9  }
0x27: {  	s1 =	sld [smem:$0x3FAF]  }
0x28: {  	s2 =	sld [smem:$0x3FB0]  }
0x29: {  	s4 =	sld [smem:$0x3FB2]  }
0x2a: {  	p0 =	seq.s32 s5, $0x0;
	s5 =	sld [smem:$0x3FB3]  }
0x2b: {  	s6 =	sld [smem:$0x3FB4]  }
0x2c: {  	s7 =	sld [smem:$0x3FB5]  }
0x2d: {  	s3 =	simm.s32 $0x108;
	s8 =	sld [smem:$0x3FB6]  }
0x2e: {  	s3 =	simm.s32 @!p0 $0x1082;
	s9 =	sld [smem:$0x3FB7]  }
0x2f: {  	lr =	sadd.s32 s0, s3;
	s0 =	sld [smem:$0x3FAE]  }
0x30: {  	s3 =	sld [smem:$0x3FB1]  }
0x31: {  	[smem:$0x3FBA] =	sst s10  }
0x32: {  	s10 =	sld [smem:$0x3FB8];
	_ =	sdelay $0x3  }
0x33: {  	p0 =	seq.s32 s10, $0x1;
	s10 =	sld [smem:$0x3FBA];
	_ =	sdelay $0x3  }
0x34: {  	[smem:$0x3FBA] =	sst s10  }
0x35: {  	s10 =	sld [smem:$0x3FB9];
	_ =	sdelay $0x3  }
0x36: {  	p1 =	seq.s32 s10, $0x1;
	s10 =	sld [smem:$0x3FBA];
	_ =	sdelay $0x3  }
0x37: {  	[smem:$0x3FBA] =	sst s10  }
0x38: {  	s10 =	sld [smem:$0x3FBB]  }
0x39: {  	_ = 	snop;
	(pc) =	sbr.ind lr, $3  }
0x3a: {  	_ = 	snop  }
0x3b: {  	_ = 	snop  }
0x3c: {  	p2 =	seq.s32 s10, $0x1;
	s10 =	sld [smem:$0x3FBA]  }
0x3d: {  	_ =	shalt  }
0x3e: {  	_ =	shalt  }
0x3f: {  	_ =	shalt  }
0x40: {  	_ =	shalt  }
0x41: {  	_ =	shalt  }
0x42: {  	_ =	shalt  }
0x43: {  	_ =	shalt  }
0x44: {  	_ =	shalt  }
0x45: {  	_ =	shalt  }
0x46: {  	_ =	shalt  }
0x47: {  	_ =	shalt  }
0x48: {  	_ =	shalt  }
0x49: {  	_ =	shalt  }
0x4a: {  	_ =	shalt  }
0x4b: {  	_ =	shalt  }
0x4c: {  	_ =	shalt  }
0x4d: {  	_ =	shalt  }
0x4e: {  	_ =	shalt  }
0x4f: {  	_ =	shalt  }
0x50: {  	_ =	shalt  }
0x51: {  	_ =	shalt  }
0x52: {  	_ =	shalt  }
0x53: {  	_ =	shalt  }
0x54: {  	_ =	shalt  }
0x55: {  	_ =	shalt  }
0x56: {  	_ =	shalt  }
0x57: {  	_ =	shalt  }
0x58: {  	_ =	shalt  }
0x59: {  	_ =	shalt  }
0x5a: {  	_ =	shalt  }
0x5b: {  	_ =	shalt  }
0x5c: {  	_ =	shalt  }
0x5d: {  	_ =	shalt  }
0x5e: {  	_ =	shalt  }
0x5f: {  	_ =	shalt  }
0x60: {  	_ =	shalt  }
0x61: {  	_ =	shalt  }
0x62: {  	_ =	shalt  }
0x63: {  	_ =	shalt  }
0x64: {  	_ =	shalt  }
0x65: {  	_ =	shalt  }
0x66: {  	_ =	shalt  }
0x67: {  	_ =	shalt  }
0x68: {  	_ =	shalt  }
0x69: {  	_ =	shalt  }
0x6a: {  	_ =	shalt  }
0x6b: {  	_ =	shalt  }
0x6c: {  	_ =	shalt  }
0x6d: {  	_ =	shalt  }
0x6e: {  	_ =	shalt  }
0x6f: {  	_ =	shalt  }
0x70: {  	_ =	shalt  }
0x71: {  	_ =	shalt  }
0x72: {  	_ =	shalt  }
0x73: {  	_ =	shalt  }
0x74: {  	_ =	shalt  }
0x75: {  	_ =	shalt  }
0x76: {  	_ =	shalt  }
0x77: {  	_ =	shalt  }
0x78: {  	_ =	shalt  }
0x79: {  	_ =	shalt  }
0x7a: {  	_ =	shalt  }
0x7b: {  	_ =	shalt  }
0x7c: {  	_ =	shalt  }
0x7d: {  	_ =	shalt  }
0x7e: {  	_ =	shalt  }
0x7f: {  	_ =	shalt  }
0x80: {  	_ =	shalt  }
0x81: {  	_ =	shalt  }
0x82: {  	_ =	shalt  }
0x83: {  	_ =	shalt  }
0x84: {  	_ =	shalt  }
0x85: {  	_ =	shalt  }
0x86: {  	_ =	shalt  }
0x87: {  	_ =	shalt  }
.Lfunc_end0:
.L_simem_size_0:
called_computation_lowered:
.L_overlay_start_0:
0x88: {  	s2 =	sld [smem:$0x3FD9]  }
0x89: {  	s3 =	sld [smem:$0x3FFE];
	_ =	sdelay $0x1  }
0x8a: {  	s1 =	srdreg.scid  }
0x8b: {  	s0 =	sand.u32 $0x1, s1  }
0x8c: {  	s17 =	sshll.u32 s0, $0xA;
	s2 =	sadd.s32 s3, s2  }
0x8d: {  	s2 =	sadd.s32 s2, s17  }
0x8e: {  	[smem:$0x3FC6] =	sst s2  }
0x8f: {  	_ = 	snop  }
0x90: {  	s2 =	sld [smem:$0x3FD0];
	(tm) =	ssettm $0x1  }
0x91: {  	s18 =	sld [smem:$0x3FFB];
	_ =	sdelay $0x3  }
0x92: {  	_ =	strace s18  }
0x93: {  	s3 =	sld [smem:$0x3FFC];
	_ =	sdelay $0x3  }
0x94: {  	_ =	strace s3  }
0x95: {  	s3 =	sld [smem:$0x3FFD];
	_ =	sdelay $0x3  }
0x96: {  	_ =	strace s3  }
0x97: {  	_ =	strace $0x8FFFFFFF  }
0x98: {  	s19 =	sld [smem:$0x3FDB];
	_ =	sdelay $0x1  }
0x99: {  	s4 =	simm.s32 $_scs_section_size  }
0x9a: {  	s5 =	simm.s32 $_size__tile_overlayer_lowered;
	s6 =	simm.s32 $_tile_overlayer_lowered  }
0x9b: {  	s22 =	simm.s32 $0x1BFF;
	s21 =	sshll.u32 s6, $0x1;
	s3 =	sadd.s32 s4, s19  }
0x9c: {  	s7 =	simm.s32 $0x0;
	s20 =	sshll.u32 s5, $0x1;
	s5 =	sadd.s32 s21, s3  }
0x9d: {  	[timem:s7], [sflag:s22] =	dma.local [hbm:s5], s20  }
0x9e: {  	_ =	swait.ge [sflag:s22], s20  }
0x9f: {  	s4 =	ssub.s32 $0x0, s20;
	[sflag:s22] =	ssyncset.done $0x0  }
0xa0: {  	[sflag:s22] =	ssyncadd.s32 s4;
	_ =	sdelay $0x1  }
0xa1: {  	s23 =	simm.s32 $0x1B8B  }
0xa2: {  	_ =	swait.ge [sflag:s23], $0x1  }
0xa3: {  	[sflag:s23] =	ssyncset.done $0x0  }
0xa4: {  	s25 =	simm.s32 $0x1B8E;
	s24 =	sld [smem:$0x3FFE];
	[sflag:s23] =	ssyncadd.s32 $0xFFFFFFFF  }
0xa5: {  	s26 =	simm.s32 $execute0_lowered;
	[smem:$0x3FD2] =	sst s25  }
0xa6: {  	s5 =	sshll.u32 s26, $0x1;
	_ =	strace $0x80000046;
	[dreg:$0x1] =	wrdreg $0xFFFFFFFF  }
0xa7: {  	s28 =	simm.s32 $_size_execute0_lowered;
	s3 =	sadd.s32 s3, s5;
	[dreg:$0x0] =	wrdreg $0x0  }
0xa8: {  	s5 =	sshll.u32 s28, $0x1;
	[dreg:$0x2] =	wrdreg s3  }
0xa9: {  	[dreg:$0x3] =	wrdreg s5  }
0xaa: {  	[dreg:$0x4] =	wrdreg $0xC0  }
0xab: {  	_ =	task [dreg:s7], $0x5FFFF  }
0xac: {  	[dreg:$0x1] =	wrdreg $0xFFFFFFFF  }
0xad: {  	[dreg:$0x0] =	wrdreg $0x60  }
0xae: {  	[dreg:$0x2] =	wrdreg s2  }
0xaf: {  	[dreg:$0x3] =	wrdreg s24  }
0xb0: {  	[dreg:$0x4] =	wrdreg $0x9  }
0xb1: {  	_ =	task.clear_ibuf [dreg:s7], $0x5FFFF;
	_ =	strace $0x90000046  }
0xb2: {  	s29 =	simm.s32 $0x9;
	_ =	strace $0x80000048  }
0xb3: {  	_ =	swait.ge [sflag:s29], $0x1  }
0xb4: {  	[sflag:s29] =	ssyncadd.s32 $0xFFFFFFFF  }
0xb5: {  	_ =	strace $0x90000048  }
0xb6: {  	_ =	sfence  }
0xb7: {  	s30 =	sld [smem:$0x0];
	_ =	sdelay $0x2  }
0xb8: {  	s31 =	sshll.u32 s1, $0xD;
	s1 =	sshrl.u32 s1, $0x2  }
0xb9: {  	s3 =	sand.u32 $0x4000, s31;
	s1 =	sadd.s32 s1, s30  }
0xba: {  	s0 =	sor.u32 s3, s0;
	s1 =	sshll.u32 s1, $0x11  }
0xbb: {  	s0 =	sor.u32 s1, s0  }
0xbc: {  	s0 =	sadd.s32 $0x8F2B, s0  }
0xbd: {  	[sflag:s0] =	ssyncadd.remote.s32 $0x1  }
0xbe: {  	_ =	sfence.sel $0xFFFF  }
0xbf: {  	[dreg:$0x0] =	wrdreg $0xFFFFFFFF;
	(pc) =	sbr.abs _section_cstart, $3  }
0xc0: {  	[dreg:$0x1] =	wrdreg $0xFFFFFFFF  }
0xc1: {  	_ =	task.clear_ibuf [dreg:s7], $0x2FFFF;
	_ =	strace $0x9FFFFFFF  }
0xc2: {  	(tm) =	ssettm $0x7FFFFFFF  }
0xc3: {  	_ =	shalt  }
tec
execute0_lowered:
.L_overlay_start_1:
0x0: {  	(tag) =	ssettag $0x1  }
0x1: {  	s1 =	srdreg.scid  }
0x2: {  	s0 =	stileid.u32;
	s13 =	sand.u32 $0x1, s1  }
0x3: {  	v1 =	vlaneseq.u32;
	s30 =	sshll.u32 s0, $0x5;
	s2 =	sshll.u32 s13, $0x4  }
0x4: {  	v0 =	vmul.u32 $0xFFFFFFFF, v1;
	s12 =	sor.u32 s2, s30  }
0x5: {  	s1 =	sxor.u32 $0x1FF, s12  }
0x6: {  	v0 =	vadd.s32 s1, v0  }
0x7: {  	v2 =	vshll.u32 v0, $0x3  }
0x8: {  	v0 =	vand.u32 $0x7, v0;
	v2 =	vand.u32 $0xFFFFFFC0, v2  }
0x9: {  	v3 =	vshrl.u32 v1, $0x3;
	v2 =	vor.u32 v0, v2;
	v0 =	vand.u32 $0x7, v1  }
0xa: {  	v3 =	vmul.u32 $0x8, v3;
	v0 =	vperm.xlane v2, v0;
	_ =	sdelay $0x1  }
0xb: {  	v0 =	vadd.s32 v3, v0  }
0xc: {  	s15 =	rddreg [dreg:$0x1];
	s3 =	simm.s32 $0x0  }
0xd: {  	[smem:$0x7FF] =	sst s3  }
0xe: {  	s2 =	rddreg [dreg:$0x0]  }
0xf: {  	vm0 =	vmmov $0xffff;
	s1 =	rddreg [dreg:$0x2];
	_ =	strace $0x80000047  }
0x10: {  	v1 =	vor.u32 $0x8, v1;
	[tilespmem:s3], [sflag:$0x1] =	stream.indirect_vreg.gather [hbm4b:s2+s3], $0x80, v0, vm0, $0xb8;
	[tilespmem:$0x4000] =	vst v63  }
0x11: {  	s5 =	simm.s32 $0x800;
	s4 =	sadd.s32 $0x100, s2;
	v1 =	vperm.xlane v2, v1  }
0x12: {  	[tilespmem:s5], [sflag:$0x1] =	stream.indirect_vreg.gather [hbm4b:s4+s3], $0x80, v0, vm0, $0xb8;
	[tilespmem:$0x4000] =	vst v63  }
0x13: {  	s7 =	simm.s32 $0x1000;
	s6 =	sadd.s32 $0x200, s2;
	v1 =	vadd.s32 v3, v1  }
0x14: {  	[tilespmem:s7], [sflag:$0x1] =	stream.indirect_vreg.gather [hbm4b:s6+s3], $0x80, v0, vm0, $0xb8;
	[tilespmem:$0x4000] =	vst v63  }
0x15: {  	s9 =	simm.s32 $0x1800;
	s8 =	sadd.s32 $0x300, s2  }
0x16: {  	[tilespmem:s9], [sflag:$0x1] =	stream.indirect_vreg.gather [hbm4b:s8+s3], $0x80, v0, vm0, $0xb8;
	[tilespmem:$0x4000] =	vst v63  }
0x17: {  	s10 =	simm.s32 $0x2000;
	s17 =	ssub.s32 $0x2, s13  }
0x18: {  	[tilespmem:s10], [sflag:$0x1] =	stream.indirect_vreg.gather [hbm4b:s2+s3], $0x80, v1, vm0, $0xb8;
	[tilespmem:$0x4000] =	vst v63  }
0x19: {  	s11 =	simm.s32 $0x2800;
	s31 =	sshrl.u32 s17, $0x1;
	s16 =	sshll.u32 s12, $0x7  }
0x1a: {  	[tilespmem:s11], [sflag:$0x1] =	stream.indirect_vreg.gather [hbm4b:s4+s3], $0x80, v1, vm0, $0xb8;
	[tilespmem:$0x4000] =	vst v63  }
0x1b: {  	s12 =	simm.s32 $0x3000;
	s15 =	sadd.s32 s16, s15;
	s16 =	ssub.s32 s17, s31  }
0x1c: {  	[tilespmem:s12], [sflag:$0x1] =	stream.indirect_vreg.gather [hbm4b:s6+s3], $0x80, v1, vm0, $0xb8;
	[tilespmem:$0x4000] =	vst v63  }
0x1d: {  	s14 =	simm.s32 $0x1;
	s13 =	simm.s32 $0x3800;
	s17 =	smax.u32 s16, $0x1  }
0x1e: {  	[tilespmem:s13], [sflag:$0x1] =	stream.indirect_vreg.gather [hbm4b:s8+s3], $0x80, v1, vm0, $0xb8;
	[tilespmem:$0x4000] =	vst v63  }
0x1f: {  	p0 =	sne.s32 s17, $0x1;
	_ =	swait.ge [sflag:s14], $0x4000  }
.Ltmp0:
0x20: {  	[sflag:s14] =	ssyncset.done $0x0;
	(pc) =	sbr.rel @!p0 .LBB2_2-.Ltmp0, $4  }
0x21: {  	s15 =	sadd.s32 $0xC00, s15;
	s16 =	simm.s32 $0x2;
	[sflag:s14] =	ssyncadd.s32 $0xFFFFC000  }
0x22: {  	[hbm4b:s15+s3] =	stream.linear.scatter [tilespmem:s3], [sflag:$0x2], $0x4000, $0x38;
	[tilespmem:$0x4000] =	vst v63  }
0x23: {  	_ =	swait.ge [sflag:s16], $0x4000  }
0x24: {  	s17 =	sadd.s32 $0xFFFFFFFF, s17;
	[sflag:s16] =	ssyncset.done $0x0  }
.LBB2_1:
0x25: {  	p0 =	sne.s32 s17, $0x1;
	s17 =	sadd.s32 $0xFFFFFFFF, s17;
	[sflag:s16] =	ssyncadd.s32 $0xFFFFC000  }
0x26: {  	[tilespmem:s3], [sflag:$0x1] =	stream.indirect_vreg.gather [hbm4b:s2+s3], $0x80, v0, vm0, $0xb8;
	[tilespmem:$0x4000] =	vst v63  }
0x27: {  	_ = 	snop  }
0x28: {  	[tilespmem:s5], [sflag:$0x1] =	stream.indirect_vreg.gather [hbm4b:s4+s3], $0x80, v0, vm0, $0xb8;
	[tilespmem:$0x4000] =	vst v63  }
0x29: {  	_ = 	snop  }
0x2a: {  	[tilespmem:s7], [sflag:$0x1] =	stream.indirect_vreg.gather [hbm4b:s6+s3], $0x80, v0, vm0, $0xb8;
	[tilespmem:$0x4000] =	vst v63  }
0x2b: {  	_ = 	snop  }
0x2c: {  	[tilespmem:s9], [sflag:$0x1] =	stream.indirect_vreg.gather [hbm4b:s8+s3], $0x80, v0, vm0, $0xb8;
	[tilespmem:$0x4000] =	vst v63  }
0x2d: {  	_ = 	snop  }
0x2e: {  	[tilespmem:s10], [sflag:$0x1] =	stream.indirect_vreg.gather [hbm4b:s2+s3], $0x80, v1, vm0, $0xb8;
	[tilespmem:$0x4000] =	vst v63  }
0x2f: {  	_ = 	snop  }
0x30: {  	[tilespmem:s11], [sflag:$0x1] =	stream.indirect_vreg.gather [hbm4b:s4+s3], $0x80, v1, vm0, $0xb8;
	[tilespmem:$0x4000] =	vst v63  }
0x31: {  	_ = 	snop  }
0x32: {  	[tilespmem:s12], [sflag:$0x1] =	stream.indirect_vreg.gather [hbm4b:s6+s3], $0x80, v1, vm0, $0xb8;
	[tilespmem:$0x4000] =	vst v63  }
0x33: {  	_ = 	snop  }
0x34: {  	[tilespmem:s13], [sflag:$0x1] =	stream.indirect_vreg.gather [hbm4b:s8+s3], $0x80, v1, vm0, $0xb8;
	[tilespmem:$0x4000] =	vst v63  }
0x35: {  	_ =	swait.ge [sflag:s14], $0x4000  }
.Ltmp1:
0x36: {  	[sflag:s14] =	ssyncset.done $0x0;
	(pc) =	sbr.rel @p0 .LBB2_1-.Ltmp1, $4  }
0x37: {  	[sflag:s14] =	ssyncadd.s32 $0xFFFFC000  }
0x38: {  	[hbm4b:s15+s3] =	stream.linear.scatter [tilespmem:s3], [sflag:$0x2], $0x4000, $0x38;
	[tilespmem:$0x4000] =	vst v63  }
0x39: {  	_ =	swait.ge [sflag:s16], $0x4000  }
0x3a: {  	[sflag:s16] =	ssyncset.done $0x0  }
.LBB2_2:
0x3b: {  	[sflag:s16] =	ssyncadd.s32 $0xFFFFC000  }
0x3c: {  	_ =	sfence.sel $0x180000  }
0x3d: {  	[bflag:$0x0] =	sbarrier.arrive $0xFFFF  }
0x3e: {  	p0 =	sne.s32 s0, $0x0;
	_ =	strace $0x90000047  }
0x3f: {  	s0 =	sadd.s32 @!p0 $0x100000, s1;
	[bflag:$0x2] =	sbarrier.arrive $0xFFFF  }
0x40: {  	[sflag:s0] =	ssyncadd.tile.s32 @!p0 $0x1;
	_ =	shalt  }
.Lfunc_end2:
_tile_overlayer_lowered:
.L_overlay_start_2:
0x41: {  	(tag) =	ssettag $0x2  }
0x42: {  	s0 =	rddreg [dreg:$0x0];
	s2 =	stileid.u32  }
0x43: {  	s1 =	rddreg [dreg:$0x1];
	p0 =	sne.s32 s2, $0x0  }
0x44: {  	s3 =	rddreg [dreg:$0x2];
	[bflag:$0x3] =	sbarrier.arrive $0xFFFF;
	s2 =	simm.s32 @!p0 $0x1C02  }
0x45: {  	[timem:s3], [sflag:s2] =	dma.local @!p0 [hbm:s0], s1  }
0x46: {  	s0 =	simm.s32 @!p0 $0x2  }
0x47: {  	_ =	swait.ge @!p0 [sflag:s0], s1  }
0x48: {  	s1 =	ssub.s32 @!p0 $0x0, s1;
	[sflag:s0] =	ssyncset.done @!p0 $0x0  }
0x49: {  	[sflag:s0] =	ssyncadd.s32 @!p0 s1  }
0x4a: {  	[bflag:$0x3] =	sbarrier.arrive $0xFFFF  }
0x4b: {  	_ =	shalt  }

</sc_bundles>
